<compile_context>
chip_gen: v7x
topology: tpu7x:2x2x1
jax: 0.10.2.dev20260603
libtpu: 0.0.44.dev20260713+nightly
codegen_flags: <defaults>
</compile_context>

<pallas_src>
import jax
import jax.numpy as jnp
from jax.experimental import pallas as pl
from jax.experimental.pallas import tpu as pltpu

MU = 256
MAX_MEMORY = 65536
D_IN = 4096
D_OUT = 4096
N_OUT = D_OUT + 3 + MU
D_JOIN = D_IN + MU

GRID = 16
MV_BLK = 280
MEM_BLK = MAX_MEMORY // GRID


def _merged_body(x_ref, w_ref, b_ref, o_ref, mem_ref):
    acc = jnp.sum(w_ref[...] * x_ref[...], axis=1, keepdims=True)
    o_ref[...] = acc + b_ref[...]
    mem_ref[...] = jnp.zeros((MEM_BLK, MU), jnp.float32)


def _scatter_body(z_ref, sv_ref, hp_ref, m_ref, out_ref, nr_ref, h2_ref, sem):
    del z_ref
    wr = sv_ref[2]
    hp = hp_ref[0]

    @pl.when(wr > 0.5)
    def _write_row():
        cp = pltpu.make_async_copy(m_ref, out_ref.at[pl.ds(hp * MU, MU)], sem)
        cp.start()
        cp.wait()

    shift = sv_ref[0]
    jump = sv_ref[1]
    shifts = jnp.trunc(shift * 3.0 * 1.0 - 1e-09).astype(jnp.int32) - 1
    n = jnp.abs(shifts)
    delta = jnp.where(n >= 1, n - 2, 0)
    head1 = jnp.where(jump > 0.5, 0, hp).astype(jnp.int32)
    head2 = jnp.mod(head1 + delta, MAX_MEMORY).astype(jnp.int32)
    h2_ref[0] = head2
    take = (head2 == hp) & (wr > 0.5)
    nr_ref[...] = jnp.where(take, m_ref[...], jnp.zeros((MU,), jnp.float32))


def kernel(x, memory, previous_read, head_pos, W, b):
    x_joined = jnp.concatenate(
        [x.astype(jnp.float32), previous_read[None, :]], axis=1)

    out2d, memz = pl.pallas_call(
        _merged_body,
        grid=(GRID,),
        in_specs=[
            pl.BlockSpec((1, D_JOIN), lambda i: (0, 0)),
            pl.BlockSpec((MV_BLK, D_JOIN), lambda i: (i, 0)),
            pl.BlockSpec((MV_BLK, 1), lambda i: (i, 0)),
        ],
        out_specs=[
            pl.BlockSpec((MV_BLK, 1), lambda i: (i, 0)),
            pl.BlockSpec((MEM_BLK, MU), lambda i: (i, 0)),
        ],
        out_shape=[
            jax.ShapeDtypeStruct((N_OUT, 1), jnp.float32),
            jax.ShapeDtypeStruct((MAX_MEMORY, MU), jnp.float32),
        ],
    )(x_joined, W, b.reshape(N_OUT, 1))

    out = out2d[:, 0]
    y = out[:D_OUT]
    sv = out[D_OUT:D_OUT + 3]
    m = out[D_OUT + 3:]

    memflat, nr, h2 = pl.pallas_call(
        _scatter_body,
        in_specs=[
            pl.BlockSpec(memory_space=pl.ANY),
            pl.BlockSpec(memory_space=pltpu.SMEM),
            pl.BlockSpec(memory_space=pltpu.SMEM),
            pl.BlockSpec(memory_space=pltpu.VMEM),
        ],
        out_specs=[
            pl.BlockSpec(memory_space=pl.ANY),
            pl.BlockSpec(memory_space=pltpu.VMEM),
            pl.BlockSpec(memory_space=pltpu.SMEM),
        ],
        out_shape=[
            jax.ShapeDtypeStruct((MAX_MEMORY * MU,), jnp.float32),
            jax.ShapeDtypeStruct((MU,), jnp.float32),
            jax.ShapeDtypeStruct((1,), jnp.int32),
        ],
        input_output_aliases={0: 0},
        scratch_shapes=[pltpu.SemaphoreType.DMA],
    )(memz.reshape(MAX_MEMORY * MU), sv, head_pos.reshape(1).astype(jnp.int32), m)

    return y, memflat.reshape(MAX_MEMORY, MU), nr, h2[0]

# --- scband reference (transcript-rebuilt; emitter-appended) ---
"""Pipeline reference for scband-ntm-33698313405234 (READ-ONLY COPY).

The authoritative reference and input builder live on the scoring server;
editing this copy changes nothing except your own understanding.
"""

import jax, jax.numpy as jnp
import numpy as np

MU = 256
MAX_MEMORY = 65536
D_IN = 4096
D_OUT = 4096


def setup_inputs(seed: int = 0) -> dict:
    key = jax.random.key(seed)
    k1, k2, k3 = jax.random.split(key, 3)
    x = jax.random.normal(k1, (1, D_IN), dtype=jnp.float32)
    # controller network: nn.Linear(D_IN + MU, D_OUT + 3 + MU)
    W = jax.random.normal(k2, (D_OUT + 3 + MU, D_IN + MU), dtype=jnp.float32) / np.sqrt(D_IN + MU)
    b = jax.random.normal(k3, (D_OUT + 3 + MU,), dtype=jnp.float32) * 0.01
    # NTM state after reset(): zero memory, zero previous read, head at 0
    memory = jnp.zeros((MAX_MEMORY, MU), dtype=jnp.float32)
    previous_read = jnp.zeros((MU,), dtype=jnp.float32)
    head_pos = jnp.int32(0)
    return {"x": x, "memory": memory, "previous_read": previous_read, "head_pos": head_pos, "W": W, "b": b}


def reference(x, memory, previous_read, head_pos, W, b):
    # forward: x_joined = cat(x, previous_read); out = network(x_joined)
    x_joined = jnp.concatenate([x.astype(jnp.float32), previous_read[None, :]], axis=1)
    out = (x_joined @ W.T + b)[0]
    update_size = 3 + MU
    y = out[:-update_size]
    v = out[-update_size:]
    # update_head(v)
    shift = v[0]
    jump = v[1]
    w = v[2]
    m = jax.lax.stop_gradient(v[3:3 + MU])  # torch writes detached copies
    # _write (overwrite_mode=True): scatter-overwrite row at head_pos if w > 0.5
    written = memory.at[head_pos].set(m)
    mem1 = jnp.where(w > 0.5, written, memory)
    # _content_jump (only applied if jump > jump_threshold=0.5)
    sims = jnp.sqrt(jnp.sum(1.0 - (mem1 - m) ** 2, axis=1)) / MU
    pos = jnp.argmax(sims)
    jump_target = jnp.where(sims[pos] > 0.5, pos, 0).astype(jnp.int32)
    head1 = jnp.where(jump > 0.5, jump_target, head_pos).astype(jnp.int32)
    # _shift: memory starts at max_memory rows so grow branches never trigger;
    # loop net effect: head += (n - 2) for n = abs(shifts) >= 1, else unchanged
    shifts = jnp.trunc(shift * 3.0 * 1.0 - 1e-09).astype(jnp.int32) - 1  # int(3*1/2) == 1
    n = jnp.abs(shifts)
    delta = jnp.where(n >= 1, n - 2, 0)
    head2 = jnp.mod(head1 + delta, MAX_MEMORY).astype(jnp.int32)
    # _read: gather row at new head position (detached in torch)
    new_read = jax.lax.stop_gradient(mem1[head2])
    # torch forward returns y; state mutations returned explicitly here
    return y, mem1, new_read, head2

if __name__ == "__main__":
    import jax
    _d = setup_inputs()
    print(jax.jit(kernel)(*tuple(_d.values())))

</pallas_src>

<mosaic_0001>
module attributes {stable_mosaic.version = 14 : i64} {
  func.func @_merged_body(%arg0: i32, %arg1: memref<1x4352xf32, #tpu.memory_space<vmem>>, %arg2: memref<280x4352xf32, #tpu.memory_space<vmem>>, %arg3: memref<280x1xf32, #tpu.memory_space<vmem>>, %arg4: memref<280x1xf32, #tpu.memory_space<vmem>>, %arg5: memref<4096x256xf32, #tpu.memory_space<vmem>>) attributes {dimension_semantics = [#tpu.dimension_semantics<arbitrary>], iteration_bounds = array<i64: 16>, scalar_prefetch = 0 : i64, scratch_operands = 0 : i64, tpu.core_type = #tpu.core_type<tc>, window_params = [{pipeline_mode = #tpu.pipeline_mode<synchronous>, transform_indices = @transform_0, window_bounds = array<i64: 1, 4352>}, {transform_indices = @transform_1, window_bounds = array<i64: 280, 4352>}, {transform_indices = @transform_2, window_bounds = array<i64: 280, 1>}, {transform_indices = @transform_3, window_bounds = array<i64: 280, 1>}, {transform_indices = @transform_4, window_bounds = array<i64: 4096, 256>}]} {
    %get3A = arith.constant 0 : index
    %get3A_0 = arith.constant 0 : index
    %get3A_1 = vector.load %arg2[%get3A, %get3A_0] : memref<280x4352xf32, #tpu.memory_space<vmem>>, vector<280x4352xf32>
    %get3A_2 = arith.constant 0 : index
    %get3A_3 = arith.constant 0 : index
    %get3A_4 = vector.load %arg1[%get3A_2, %get3A_3] : memref<1x4352xf32, #tpu.memory_space<vmem>>, vector<1x4352xf32>
    %mul3A = vector.broadcast %get3A_4 : vector<1x4352xf32> to vector<280x4352xf32>
    %mul3A_5 = arith.mulf %get3A_1, %mul3A : vector<280x4352xf32>
    %reduce_sum3A = arith.constant dense<0.000000e+00> : vector<280xf32>
    %reduce_sum3A_6 = vector.multi_reduction <add>, %mul3A_5, %reduce_sum3A [1] : vector<280x4352xf32> to vector<280xf32>
    %broadcast_in_dim3A = vector.shape_cast %reduce_sum3A_6 : vector<280xf32> to vector<280x1xf32>
    %get3A_7 = arith.constant 0 : index
    %get3A_8 = arith.constant 0 : index
    %get3A_9 = vector.load %arg3[%get3A_7, %get3A_8] : memref<280x1xf32, #tpu.memory_space<vmem>>, vector<280x1xf32>
    %add3A = arith.addf %broadcast_in_dim3A, %get3A_9 : vector<280x1xf32>
    %swap3A = arith.constant 0 : index
    %swap3A_10 = arith.constant 0 : index
    %swap3A_11 = vector.load %arg4[%swap3A, %swap3A_10] : memref<280x1xf32, #tpu.memory_space<vmem>>, vector<280x1xf32>
    tpu.vector_store %arg4[%swap3A, %swap3A_10], %add3A {strides = array<i32>} : memref<280x1xf32, #tpu.memory_space<vmem>>, vector<280x1xf32>,
    %broadcast_in_dim3A_12 = arith.constant 0.000000e+00 : f32
    %broadcast_in_dim3A_13 = vector.broadcast %broadcast_in_dim3A_12 : f32 to vector<4096x256xf32>
    %swap3A_14 = arith.constant 0 : index
    %swap3A_15 = arith.constant 0 : index
    %swap3A_16 = vector.load %arg5[%swap3A_14, %swap3A_15] : memref<4096x256xf32, #tpu.memory_space<vmem>>, vector<4096x256xf32>
    tpu.vector_store %arg5[%swap3A_14, %swap3A_15], %broadcast_in_dim3A_13 {strides = array<i32>} : memref<4096x256xf32, #tpu.memory_space<vmem>>, vector<4096x256xf32>,
    return
  }
  func.func @transform_0(%arg0: i32) -> (i32, i32) {
    %c0_i32 = arith.constant 0 : i32
    %c0_i32_0 = arith.constant 0 : i32
    %c0_i32_1 = arith.constant 0 : i32
    return %c0_i32, %c0_i32_0 : i32, i32
  }
  func.func @transform_1(%arg0: i32) -> (i32, i32) {
    %c0_i32 = arith.constant 0 : i32
    %c0_i32_0 = arith.constant 0 : i32
    return %arg0, %c0_i32 : i32, i32
  }
  func.func @transform_2(%arg0: i32) -> (i32, i32) {
    %c0_i32 = arith.constant 0 : i32
    %c0_i32_0 = arith.constant 0 : i32
    return %arg0, %c0_i32 : i32, i32
  }
  func.func @transform_3(%arg0: i32) -> (i32, i32) {
    %c0_i32 = arith.constant 0 : i32
    %c0_i32_0 = arith.constant 0 : i32
    return %arg0, %c0_i32 : i32, i32
  }
  func.func @transform_4(%arg0: i32) -> (i32, i32) {
    %c0_i32 = arith.constant 0 : i32
    %c0_i32_0 = arith.constant 0 : i32
    return %arg0, %c0_i32 : i32, i32
  }
}

module attributes {stable_mosaic.version = 14 : i64} {
  func.func @_scatter_body(%arg0: memref<16777216xf32, #tpu.memory_space<any>>, %arg1: memref<3xf32, #tpu.memory_space<smem>>, %arg2: memref<1xi32, #tpu.memory_space<smem>>, %arg3: memref<256xf32, #tpu.memory_space<vmem>>, %arg4: memref<16777216xf32, #tpu.memory_space<any>>, %arg5: memref<256xf32, #tpu.memory_space<vmem>>, %arg6: memref<1xi32, #tpu.memory_space<smem>>, %arg7: memref<!tpu.dma_semaphore, #tpu.memory_space<semaphore_mem>>) attributes {dimension_semantics = [], scalar_prefetch = 0 : i64, scratch_operands = 1 : i64, tpu.core_type = #tpu.core_type<tc>} {
    %get3A = arith.constant 2 : index
    %get3A_0 = memref.load %arg1[%get3A] : memref<3xf32, #tpu.memory_space<smem>>
    %get3A_1 = arith.constant 0 : index
    %get3A_2 = memref.load %arg2[%get3A_1] : memref<1xi32, #tpu.memory_space<smem>>
    %gt3A = arith.constant 5.000000e-01 : f32
    %gt3A_3 = arith.cmpf ogt, %get3A_0, %gt3A : f32
    %convert_element_type3A = arith.extui %gt3A_3 : i1 to i32
    %cond3A = arith.constant 0 : i32
    %cond3A_4 = arith.cmpi ne, %convert_element_type3A, %cond3A : i32
    scf.if %cond3A_4 {
      %mul3A_48 = arith.constant 256 : i32
      %mul3A_49 = arith.muli %get3A_2, %mul3A_48 : i32
      %dma_start3A = tpu.memref_slice %arg4[%mul3A_49] : memref<16777216xf32, #tpu.memory_space<any>> -> memref<256xf32, #tpu.memory_space<any>>
      tpu.enqueue_dma source(%arg3 : memref<256xf32, #tpu.memory_space<vmem>>) target(%dma_start3A : memref<256xf32, #tpu.memory_space<any>>) target_semaphore(%arg7 : memref<!tpu.dma_semaphore, #tpu.memory_space<semaphore_mem>>)
      %dma_wait3A = tpu.memref_slice %arg4[%mul3A_49] : memref<16777216xf32, #tpu.memory_space<any>> -> memref<256xf32, #tpu.memory_space<any>>
      tpu.wait_dma2 semaphore(%arg7 : memref<!tpu.dma_semaphore, #tpu.memory_space<semaphore_mem>>) src(%arg3 : memref<256xf32, #tpu.memory_space<vmem>>) dst(%dma_wait3A : memref<256xf32, #tpu.memory_space<any>>)
    } else {
    }
    %get3A_5 = arith.constant 0 : index
    %get3A_6 = memref.load %arg1[%get3A_5] : memref<3xf32, #tpu.memory_space<smem>>
    %get3A_7 = arith.constant 1 : index
    %get3A_8 = memref.load %arg1[%get3A_7] : memref<3xf32, #tpu.memory_space<smem>>
    %mul3A = arith.constant 3.000000e+00 : f32
    %mul3A_9 = arith.mulf %get3A_6, %mul3A : f32
    %mul3A_10 = arith.constant 1.000000e+00 : f32
    %mul3A_11 = arith.mulf %mul3A_9, %mul3A_10 : f32
    %sub3A = arith.constant 9.99999971E-10 : f32
    %sub3A_12 = arith.subf %mul3A_11, %sub3A : f32
    %lt3A = arith.constant 0.000000e+00 : f32
    %lt3A_13 = arith.cmpf olt, %sub3A_12, %lt3A : f32
    %ceil3A = math.ceil %sub3A_12 : f32
    %floor3A = math.floor %sub3A_12 : f32
    %select_n3A = arith.select %lt3A_13, %ceil3A, %floor3A : f32
    %convert_element_type3A_14 = arith.fptosi %select_n3A : f32 to i32
    %sub3A_15 = arith.constant 1 : i32
    %sub3A_16 = arith.subi %convert_element_type3A_14, %sub3A_15 : i32
    %abs3A = math.absi %sub3A_16 : i32
    %ge3A = arith.constant 1 : i32
    %ge3A_17 = arith.cmpi sge, %abs3A, %ge3A : i32
    %sub3A_18 = arith.constant 2 : i32
    %sub3A_19 = arith.subi %abs3A, %sub3A_18 : i32
    %jit3A = arith.constant 0 : i32
    %select_n3A_20 = arith.select %ge3A_17, %sub3A_19, %jit3A : i32
    %gt3A_21 = arith.constant 5.000000e-01 : f32
    %gt3A_22 = arith.cmpf ogt, %get3A_8, %gt3A_21 : f32
    %jit3A_23 = arith.constant 0 : i32
    %select_n3A_24 = arith.select %gt3A_22, %jit3A_23, %get3A_2 : i32
    %add3A = arith.addi %select_n3A_24, %select_n3A_20 : i32
    %jit3A_25 = arith.constant 65536 : i32
    %eq3A = arith.constant 0 : i32
    %eq3A_26 = arith.cmpi eq, %jit3A_25, %eq3A : i32
    %jit3A_27 = arith.constant 1 : i32
    %select_n3A_28 = arith.select %eq3A_26, %jit3A_27, %jit3A_25 : i32
    %rem3A = arith.remsi %add3A, %select_n3A_28 : i32
    %ne3A = arith.constant 0 : i32
    %ne3A_29 = arith.cmpi ne, %rem3A, %ne3A : i32
    %lt3A_30 = arith.constant 0 : i32
    %lt3A_31 = arith.cmpi slt, %rem3A, %lt3A_30 : i32
    %lt3A_32 = arith.constant 0 : i32
    %lt3A_33 = arith.cmpi slt, %select_n3A_28, %lt3A_32 : i32
    %ne3A_34 = arith.xori %lt3A_31, %lt3A_33 : i1
    %and3A = arith.andi %ne3A_34, %ne3A_29 : i1
    %add3A_35 = arith.addi %rem3A, %select_n3A_28 : i32
    %select_n3A_36 = arith.select %and3A, %add3A_35, %rem3A : i32
    %swap3A = arith.constant 0 : index
    %swap3A_37 = memref.load %arg6[%swap3A] : memref<1xi32, #tpu.memory_space<smem>>
    memref.store %select_n3A_36, %arg6[%swap3A] : memref<1xi32, #tpu.memory_space<smem>>
    %eq3A_38 = arith.cmpi eq, %select_n3A_36, %get3A_2 : i32
    %gt3A_39 = arith.constant 5.000000e-01 : f32
    %gt3A_40 = arith.cmpf ogt, %get3A_0, %gt3A_39 : f32
    %and3A_41 = arith.andi %eq3A_38, %gt3A_40 : i1
    %get3A_42 = arith.constant 0 : index
    %get3A_43 = vector.load %arg3[%get3A_42] : memref<256xf32, #tpu.memory_space<vmem>>, vector<256xf32>
    %broadcast_in_dim3A = arith.constant 0.000000e+00 : f32
    %broadcast_in_dim3A_44 = vector.broadcast %broadcast_in_dim3A : f32 to vector<256xf32>
    %select_n3A_45 = arith.select %and3A_41, %get3A_43, %broadcast_in_dim3A_44 : vector<256xf32>
    %swap3A_46 = arith.constant 0 : index
    %swap3A_47 = vector.load %arg5[%swap3A_46] : memref<256xf32, #tpu.memory_space<vmem>>, vector<256xf32>
    tpu.vector_store %arg5[%swap3A_46], %select_n3A_45 {strides = array<i32>} : memref<256xf32, #tpu.memory_space<vmem>>, vector<256xf32>,
    return
  }
}

</mosaic_0001>

<sc_bundles>
// kernel: sparse-core-data-format-call.cloned.1.call-start
scs
called_computation_lowered:
.L_overlay_start_0:
0x0: {  	s2 =	sld [smem:$0x3FD9]  }
0x1: {  	s3 =	sld [smem:$0x3FFE];
	_ =	sdelay $0x1  }
0x2: {  	s1 =	srdreg.scid  }
0x3: {  	s0 =	sand.u32 $0x1, s1  }
0x4: {  	s15 =	sshll.u32 s0, $0xA;
	s2 =	sadd.s32 s3, s2  }
0x5: {  	s2 =	sadd.s32 s2, s15  }
0x6: {  	[smem:$0x3FC3] =	sst s2  }
0x7: {  	_ = 	snop  }
0x8: {  	s2 =	sld [smem:$0x3FD0];
	_ =	sdelay $0x2  }
0x9: {  	s16 =	simm.s32 $0xA;
	s4 =	simm.s32 $0x10  }
0xa: {  	[smem:s4], [sflag:s16] =	dma.local [hbm:s2], $0x1  }
0xb: {  	_ =	swait.eq [sflag:s16], $0x1  }
0xc: {  	[sflag:s16] =	ssyncset.done $0x0  }
0xd: {  	[sflag:s16] =	ssyncadd.s32 $0xFFFFFFFF  }
0xe: {  	s17 =	sld [smem:$0x11];
	(tm) =	ssettm $0x1  }
0xf: {  	s18 =	sld [smem:$0x3FFB];
	_ =	sdelay $0x3  }
0x10: {  	_ =	strace s18  }
0x11: {  	s3 =	sld [smem:$0x3FFC];
	_ =	sdelay $0x3  }
0x12: {  	_ =	strace s3  }
0x13: {  	s3 =	sld [smem:$0x3FFD];
	_ =	sdelay $0x3  }
0x14: {  	_ =	strace s3  }
0x15: {  	_ =	strace $0x8FFFFFFF  }
0x16: {  	s19 =	sld [smem:$0x3FDB];
	_ =	sdelay $0x1  }
0x17: {  	s20 =	simm.s32 $_scs_section_size  }
0x18: {  	s5 =	simm.s32 $_size__tile_overlayer_lowered;
	s6 =	simm.s32 $_tile_overlayer_lowered  }
0x19: {  	s23 =	simm.s32 $0x1BFF;
	s22 =	sshll.u32 s6, $0x1;
	s3 =	sadd.s32 s20, s19  }
0x1a: {  	s7 =	simm.s32 $0x0;
	s21 =	sshll.u32 s5, $0x1;
	s5 =	sadd.s32 s22, s3  }
0x1b: {  	[timem:s7], [sflag:s23] =	dma.local [hbm:s5], s21  }
0x1c: {  	_ =	swait.ge [sflag:s23], s21  }
0x1d: {  	s4 =	ssub.s32 $0x0, s21;
	[sflag:s23] =	ssyncset.done $0x0  }
0x1e: {  	[sflag:s23] =	ssyncadd.s32 s4;
	_ =	sdelay $0x1  }
0x1f: {  	s24 =	simm.s32 $0x1B8B  }
0x20: {  	_ =	swait.ge [sflag:s24], $0x1  }
0x21: {  	[sflag:s24] =	ssyncset.done $0x0  }
0x22: {  	s26 =	simm.s32 $0x1B8E;
	s25 =	sld [smem:$0x3FFE];
	[sflag:s24] =	ssyncadd.s32 $0xFFFFFFFF  }
0x23: {  	s27 =	simm.s32 $execute0_lowered;
	[smem:$0x3FD2] =	sst s26  }
0x24: {  	s5 =	sshll.u32 s27, $0x1;
	_ =	strace $0x80000046;
	[dreg:$0x1] =	wrdreg $0xFFFFFFFF  }
0x25: {  	s28 =	simm.s32 $_size_execute0_lowered;
	s3 =	sadd.s32 s3, s5;
	[dreg:$0x0] =	wrdreg $0x0  }
0x26: {  	s5 =	sshll.u32 s28, $0x1;
	[dreg:$0x2] =	wrdreg s3  }
0x27: {  	[dreg:$0x3] =	wrdreg s5  }
0x28: {  	[dreg:$0x4] =	wrdreg $0xC0  }
0x29: {  	_ =	task [dreg:s7], $0x5FFFF  }
0x2a: {  	[dreg:$0x1] =	wrdreg $0xFFFFFFFF  }
0x2b: {  	[dreg:$0x0] =	wrdreg $0x60  }
0x2c: {  	[dreg:$0x2] =	wrdreg s17  }
0x2d: {  	[dreg:$0x3] =	wrdreg s25  }
0x2e: {  	[dreg:$0x4] =	wrdreg $0x9  }
0x2f: {  	_ =	task.clear_ibuf [dreg:s7], $0x5FFFF;
	_ =	strace $0x90000046  }
0x30: {  	s29 =	simm.s32 $0x9;
	_ =	strace $0x80000048  }
0x31: {  	_ =	swait.ge [sflag:s29], $0x1  }
0x32: {  	[sflag:s29] =	ssyncadd.s32 $0xFFFFFFFF  }
0x33: {  	_ =	strace $0x90000048  }
0x34: {  	_ =	sfence  }
0x35: {  	s30 =	sld [smem:$0x0];
	_ =	sdelay $0x2  }
0x36: {  	s31 =	sshll.u32 s1, $0xD;
	s1 =	sshrl.u32 s1, $0x2  }
0x37: {  	s3 =	sand.u32 $0x4000, s31;
	s1 =	sadd.s32 s1, s30  }
0x38: {  	s0 =	sor.u32 s3, s0;
	s1 =	sshll.u32 s1, $0x11  }
0x39: {  	s0 =	sor.u32 s1, s0  }
0x3a: {  	s0 =	sadd.s32 $0x8F2B, s0  }
0x3b: {  	[sflag:s0] =	ssyncadd.remote.s32 $0x1  }
0x3c: {  	_ =	sfence.sel $0xFFFF  }
0x3d: {  	[dreg:$0x0] =	wrdreg $0xFFFFFFFF;
	(pc) =	sbr.abs _section_cstart, $3  }
0x3e: {  	[dreg:$0x1] =	wrdreg $0xFFFFFFFF  }
0x3f: {  	_ =	task.clear_ibuf [dreg:s7], $0x2FFFF;
	_ =	strace $0x9FFFFFFF  }
0x40: {  	(tm) =	ssettm $0x7FFFFFFF  }
0x41: {  	_ =	shalt  }
tec
execute0_lowered:
.L_overlay_start_1:
0x0: {  	(tag) =	ssettag $0x1  }
0x1: {  	s0 =	srdreg.scid  }
0x2: {  	s1 =	sshll.u32 s0, $0x4  }
0x3: {  	s2 =	rddreg [dreg:$0x0];
	s0 =	stileid.u32;
	s1 =	sand.u32 $0x10, s1  }
0x4: {  	s4 =	rddreg [dreg:$0x1];
	s1 =	sor.u32 s0, s1  }
0x5: {  	s7 =	simm.s32 $0x1;
	s8 =	simm.s32 $0x2;
	s3 =	sshll.u32 s1, $0x3  }
0x6: {  	s9 =	simm.s32 $0x0;
	s12 =	simm.s32 $0x0;
	s6 =	ssub.s32 $0x2000, s3  }
.Ltmp0:
0x7: {  	s11 =	simm.s32 $0x0;
	s5 =	sand.u32 $0xF8, s6;
	(pc) =	sbr.rel .LBB1_1-.Ltmp0, $4  }
0x8: {  	s1 =	rddreg [dreg:$0x2];
	_ =	strace $0x80000047;
	p0 =	sne.s32 s5, $0x0  }
0x9: {  	s6 =	sshrl.u32 s6, $0x8;
	s5 =	simm.s32 $0x1;
	s7 =	simm.s32 @!p0 $0x0  }
0xa: {  	s10 =	smov.u32 s3;
	[sflag:s5] =	ssyncpa.u1 $0x0;
	s6 =	sadd.s32 s7, s6  }
0xb: {  	[sflag:s8] =	ssyncpa.u1 $0x0;
	s8 =	simm.s32 $0x0;
	s7 =	sadd.s32 $0x1, s6  }
.LBB1_9:
0xc: {  	s14 =	sadd.s32 $0x100, s10  }
0xd: {  	p1 =	sgt.s32 s14, $0x1FFF  }
0xe: {  	s14 =	smov.u32 @p1 s3;
	p1 =	sne.s32 s11, s7  }
.Ltmp1:
0xf: {  	p0 =	slt.u32 s11, $0x2;
	(pc) =	sbr.rel @!p1 .LBB1_10-.Ltmp1, $4  }
0x10: {  	s13 =	simm.s32 @!p0 $0x2  }
0x11: {  	s15 =	sadd.s32 $0x1, s11;
	_ =	swait.ge @!p0 [sflag:s13], $0x4000  }
0x12: {  	s12 =	smov.u32 s10;
	s9 =	sadd.s32 $0x4000, s9;
	[sflag:s13] =	ssyncset.done @!p0 $0x0  }
0x13: {  	s11 =	smov.u32 s15;
	s10 =	smov.u32 s14;
	[sflag:s13] =	ssyncadd.s32 @!p0 $0xFFFFC000  }
.LBB1_1:
0x14: {  	p0 =	sge.u32 s11, s6  }
0x15: {  	s13 =	sxor.u32 @!p0 $0xFFFFFFFF, s11  }
0x16: {  	s31 =	sadd.s32 $0xFFFFFFFF, s11;
	s14 =	sshll.u32 @!p0 s10, $0x8;
	s13 =	sshll.u32 @!p0 s13, $0xE  }
0x17: {  	s15 =	simm.s32 @!p0 $0x0;
	s14 =	sadd.s32 @!p0 s2, s14;
	s13 =	sand.u32 @!p0 $0x4000, s13  }
0x18: {  	[tilespmem:s13], [sflag:$0x1] =	stream.linear.gather @!p0 [hbm4b:s14+s15], $0x4000, $0x38;
	[tilespmem:$0x10000] =	vst v63  }
0x19: {  	p0 =	sge.u32 s31, s6  }
.Ltmp2:
0x1a: {  	_ = 	snop;
	(pc) =	sbr.rel @p0 .LBB1_9-.Ltmp2, $1  }
0x1b: {  	_ =	sdelay $0x3  }
0x1c: {  	s13 =	sshll.u32 s9, $0x2;
	_ =	swait.ge [sflag:s5], $0x4000;
	s14 =	sshll.u32 s11, $0xE  }
0x1d: {  	s16 =	simm.s32 $0x0;
	s17 =	simm.s32 $0x0;
	s15 =	sand.u32 $0x10000, s13  }
0x1e: {  	[sflag:s5] =	ssyncset.done $0x0;
	s31 =	sand.u32 $0x4000, s14;
	s14 =	sshrl.u32 s15, $0x2  }
0x1f: {  	[sflag:s5] =	ssyncadd.s32 $0xFFFFC000;
	s13 =	sor.u32 $0x8000, s31;
	s15 =	sor.u32 $0x8000, s14  }
.LBB1_3:
0x20: {  	s18 =	sshra.s32 s16, $0x2  }
0x21: {  	v0 =	vmov s18;
	_ =	sdelay $0x3  }
0x22: {  	p1 =	por $0x1, $0x1;
	s18 =	simm.s32 $0x0  }
.LBB1_4:
0x23: {  	_ = 	snop  }
0x24: {  	s19 =	sshll.u32 s18, $0xA  }
0x25: {  	s19 =	sand.u32 $0x3FFFFC00, s19  }
0x26: {  	s19 =	sadd.s32 s19, s14  }
0x27: {  	v5 =	vld.idx.msk [tilespmem:v0+s19+$0x70 ss:$0x1], $0xffff  }
0x28: {  	v6 =	vld.idx.msk [tilespmem:v0+s19+$0x10 ss:$0x1], $0xffff  }
0x29: {  	v7 =	vld.idx.msk [tilespmem:v0+s19+$0x20 ss:$0x1], $0xffff  }
0x2a: {  	s31 =	sshll.u32 s18, $0x7;
	v1 =	vld.idx.msk [tilespmem:v0+s19+$0x30 ss:$0x1], $0xffff  }
0x2b: {  	s18 =	sand.u32 $0x3FFFFF80, s31;
	v2 =	vld.idx.msk [tilespmem:v0+s19+$0x40 ss:$0x1], $0xffff  }
0x2c: {  	s18 =	sadd.s32 s18, s15;
	v3 =	vld.idx.msk [tilespmem:v0+s19+$0x50 ss:$0x1], $0xffff  }
0x2d: {  	v4 =	vld.idx.msk [tilespmem:v0+s19+$0x60 ss:$0x1], $0xffff;
	[tilespmem:v0+s18+$0x70 ss:$0x1] =	vst.idx.msk $0xffff, v5  }
0x2e: {  	v5 =	vld.idx.msk [tilespmem:v0+s19+$0x0 ss:$0x1], $0xffff;
	[tilespmem:v0+s18+$0x10 ss:$0x1] =	vst.idx.msk $0xffff, v6;
	s19 =	sadd.s32 $0x80, s19  }
0x2f: {  	p0 =	por p1, p1;
	s20 =	simm.s32 $0x6;
	[tilespmem:v0+s18+$0x20 ss:$0x1] =	vst.idx.msk $0xffff, v7;
	v6 =	vld.idx.msk [tilespmem:v0+s19+$0x70 ss:$0x1], $0xffff  }
.LBB1_5:
0x30: {  	p1 =	sne.s32 s20, $0x1;
	v7 =	vld.idx.msk [tilespmem:v0+s19+$0x10 ss:$0x1], $0xffff;
	[tilespmem:v0+s18+$0x30 ss:$0x1] =	vst.idx.msk $0xffff, v1  }
0x31: {  	v8 =	vld.idx.msk [tilespmem:v0+s19+$0x20 ss:$0x1], $0xffff;
	[tilespmem:v0+s18+$0x40 ss:$0x1] =	vst.idx.msk $0xffff, v2  }
0x32: {  	v1 =	vld.idx.msk [tilespmem:v0+s19+$0x30 ss:$0x1], $0xffff;
	[tilespmem:v0+s18+$0x50 ss:$0x1] =	vst.idx.msk $0xffff, v3  }
.Ltmp3:
0x33: {  	v2 =	vld.idx.msk [tilespmem:v0+s19+$0x40 ss:$0x1], $0xffff;
	[tilespmem:v0+s18+$0x60 ss:$0x1] =	vst.idx.msk $0xffff, v4;
	(pc) =	sbr.rel @p1 .LBB1_5-.Ltmp3, $4  }
0x34: {  	v3 =	vld.idx.msk [tilespmem:v0+s19+$0x50 ss:$0x1], $0xffff;
	[tilespmem:v0+s18+$0x0 ss:$0x1] =	vst.idx.msk $0xffff, v5;
	s18 =	sadd.s32 $0x100, s18  }
0x35: {  	v4 =	vld.idx.msk [tilespmem:v0+s19+$0x60 ss:$0x1], $0xffff;
	[tilespmem:v0+s18+$0x70 ss:$0x1] =	vst.idx.msk $0xffff, v6  }
0x36: {  	v5 =	vld.idx.msk [tilespmem:v0+s19+$0x0 ss:$0x1], $0xffff;
	[tilespmem:v0+s18+$0x10 ss:$0x1] =	vst.idx.msk $0xffff, v7;
	s19 =	sadd.s32 $0x80, s19  }
0x37: {  	s20 =	sadd.s32 $0xFFFFFFFF, s20;
	v6 =	vld.idx.msk [tilespmem:v0+s19+$0x70 ss:$0x1], $0xffff;
	[tilespmem:v0+s18+$0x20 ss:$0x1] =	vst.idx.msk $0xffff, v8  }
0x38: {  	_ =	sdelay $0x3  }
0x39: {  	[tilespmem:v0+s18+$0x30 ss:$0x1] =	vst.idx.msk $0xffff, v1  }
0x3a: {  	v1 =	vld.idx.msk [tilespmem:v0+s19+$0x10 ss:$0x1], $0xffff;
	[tilespmem:v0+s18+$0x40 ss:$0x1] =	vst.idx.msk $0xffff, v2  }
0x3b: {  	v2 =	vld.idx.msk [tilespmem:v0+s19+$0x20 ss:$0x1], $0xffff;
	[tilespmem:v0+s18+$0x50 ss:$0x1] =	vst.idx.msk $0xffff, v3  }
0x3c: {  	v61 =	vld.idx.msk [tilespmem:v0+s19+$0x40 ss:$0x1], $0xffff;
	[tilespmem:v0+s18+$0x60 ss:$0x1] =	vst.idx.msk $0xffff, v4  }
0x3d: {  	s31 =	sadd.s32 $0x100, s18;
	v62 =	vld.idx.msk [tilespmem:v0+s19+$0x50 ss:$0x1], $0xffff;
	[tilespmem:v0+s18+$0x0 ss:$0x1] =	vst.idx.msk $0xffff, v5  }
0x3e: {  	v63 =	vld.idx.msk [tilespmem:v0+s19+$0x60 ss:$0x1], $0xffff;
	[tilespmem:v0+s31+$0x70 ss:$0x1] =	vst.idx.msk $0xffff, v6  }
0x3f: {  	v3 =	vld.idx.msk [tilespmem:v0+s19+$0x30 ss:$0x1], $0xffff;
	[tilespmem:v0+s31+$0x10 ss:$0x1] =	vst.idx.msk $0xffff, v1  }
0x40: {  	v1 =	vld.idx.msk [tilespmem:v0+s19+$0x0 ss:$0x1], $0xffff;
	[tilespmem:v0+s31+$0x20 ss:$0x1] =	vst.idx.msk $0xffff, v2  }
.Ltmp4:
0x41: {  	[tilespmem:v0+s31+$0x40 ss:$0x1] =	vst.idx.msk $0xffff, v61;
	(pc) =	sbr.rel @p0 .LBB1_4-.Ltmp4, $4  }
0x42: {  	[tilespmem:v0+s31+$0x50 ss:$0x1] =	vst.idx.msk $0xffff, v62  }
0x43: {  	[tilespmem:v0+s31+$0x60 ss:$0x1] =	vst.idx.msk $0xffff, v63  }
0x44: {  	[tilespmem:v0+s31+$0x30 ss:$0x1] =	vst.idx.msk $0xffff, v3  }
0x45: {  	p1 =	por $0x0, $0x0;
	s18 =	simm.s32 $0x1;
	[tilespmem:v0+s31+$0x0 ss:$0x1] =	vst.idx.msk $0xffff, v1  }
0x46: {  	s17 =	sadd.s32 $0x1, s17  }
0x47: {  	p0 =	sne.s32 s17, $0x8  }
.Ltmp5:
0x48: {  	_ = 	snop;
	(pc) =	sbr.rel @p0 .LBB1_3-.Ltmp5, $2  }
0x49: {  	_ =	sdelay $0x2  }
0x4a: {  	s16 =	sadd.s32 $0x2000, s16  }
.Ltmp6:
0x4b: {  	(pc) =	sbr.rel .LBB1_9-.Ltmp6, $4  }
0x4c: {  	_ = 	snop  }
0x4d: {  	s12 =	sshll.u32 s12, $0x8  }
0x4e: {  	s12 =	sadd.s32 s4, s12  }
0x4f: {  	[hbm4b:s12+s8] =	stream.linear.scatter [tilespmem:s13], [sflag:$0x2], $0x4000, $0x38;
	[tilespmem:$0x10000] =	vst v63  }
.LBB1_10:
0x50: {  	_ =	sfence.sel $0x180000  }
0x51: {  	s2 =	simm.s32 $0x1;
	[bflag:$0x0] =	sbarrier.arrive $0xFFFF  }
0x52: {  	s31 =	simm.s32 $0x2;
	[sflag:s2] =	ssyncpa.u1 $0x1  }
0x53: {  	[sflag:s31] =	ssyncpa.u1 $0x1  }
0x54: {  	p0 =	sne.s32 s0, $0x0;
	_ =	strace $0x90000047  }
0x55: {  	s0 =	sadd.s32 @!p0 $0x100000, s1;
	[bflag:$0x2] =	sbarrier.arrive $0xFFFF  }
0x56: {  	[sflag:s0] =	ssyncadd.tile.s32 @!p0 $0x1;
	_ =	shalt  }
.Lfunc_end1:
_tile_overlayer_lowered:
.L_overlay_start_2:
0x57: {  	(tag) =	ssettag $0x2  }
0x58: {  	s0 =	rddreg [dreg:$0x0];
	s2 =	stileid.u32  }
0x59: {  	s1 =	rddreg [dreg:$0x1];
	p0 =	sne.s32 s2, $0x0  }
0x5a: {  	s3 =	rddreg [dreg:$0x2];
	[bflag:$0x3] =	sbarrier.arrive $0xFFFF;
	s2 =	simm.s32 @!p0 $0x1C01  }
0x5b: {  	[timem:s3], [sflag:s2] =	dma.local @!p0 [hbm:s0], s1  }
0x5c: {  	s0 =	simm.s32 @!p0 $0x1  }
0x5d: {  	_ =	swait.ge @!p0 [sflag:s0], s1  }
0x5e: {  	s1 =	ssub.s32 @!p0 $0x0, s1;
	[sflag:s0] =	ssyncset.done @!p0 $0x0  }
0x5f: {  	[sflag:s0] =	ssyncadd.s32 @!p0 s1  }
0x60: {  	[bflag:$0x3] =	sbarrier.arrive $0xFFFF  }
0x61: {  	_ =	shalt  }

</sc_bundles>
